<compile_context>
chip_gen: v7x
topology: tpu7x:2x2x1
jax: 0.10.2.dev20260603
libtpu: 0.0.44.dev20260713+nightly
codegen_flags: <defaults>
</compile_context>

<pallas_src>
import functools

import jax
import jax.numpy as jnp
from jax import lax
from jax.experimental import pallas as pl
from jax.experimental.pallas import tpu as pltpu
from jax.experimental.pallas import tpu_sc as plsc

B = 16384
V = 10
D = 512
NC = 2
NS = 16
NW = NC * NS
L = 16

B_SC = 2048
B_TC = B - B_SC
BPW = B_SC // NW
CH = 64
NCHUNK = BPW // CH

RB = 2048
BLK0 = B_SC // RB
NBLK = B_TC // RB
VP = 16

_mesh = plsc.VectorSubcoreMesh(
    core_axis_name="c", subcore_axis_name="s", num_cores=NC, num_subcores=NS
)


@functools.partial(
    pl.kernel,
    out_type=jax.ShapeDtypeStruct((B_SC, D), jnp.int32),
    mesh=_mesh,
    scratch_types=[
        pltpu.VMEM((NCHUNK, CH), jnp.int32),
        pltpu.VMEM((2, CH, D), jnp.int32),
        pltpu.SemaphoreType.DMA,
        pltpu.SemaphoreType.DMA,
        pltpu.SemaphoreType.DMA,
        pltpu.SemaphoreType.DMA,
    ],
)
def _gather_sc(tbl_hbm, idx_hbm, out_hbm, idx_v, rows_v, g0, g1, s0, s1):
    wid = lax.axis_index("s") * NC + lax.axis_index("c")
    base = wid * BPW
    gsem = (g0, g1)
    ssem = (s0, s1)

    for c in range(NCHUNK):
        pltpu.sync_copy(idx_hbm.at[pl.ds(base + c * CH, CH)], idx_v.at[c])

    off = wid * V
    for c in range(NCHUNK):
        for j in range(CH // L):
            sl = pl.ds(j * L, L)
            idx_v[c, sl] = idx_v[c, sl] + off

    def fire_gather(c):
        return pltpu.async_copy(
            tbl_hbm.at[idx_v.at[c]], rows_v.at[c % 2], gsem[c % 2]
        )

    def fire_store(c):
        return pltpu.async_copy(
            rows_v.at[c % 2], out_hbm.at[pl.ds(base + c * CH, CH)], ssem[c % 2]
        )

    gat = fire_gather(0)
    stores = {}
    for c in range(NCHUNK):
        if c + 1 < NCHUNK:
            if c - 1 >= 0:
                stores[c - 1].wait()
            nxt = fire_gather(c + 1)
        gat.wait()
        stores[c] = fire_store(c)
        if c + 1 < NCHUNK:
            gat = nxt
    for c in range(max(0, NCHUNK - 2), NCHUNK):
        stores[c].wait()


def _tc_body(idx_ref, tbl_ref, out_ref):
    idxb = idx_ref[0]
    oh = (jnp.broadcast_to(idxb, (V, RB))
          == lax.broadcasted_iota(jnp.int32, (V, RB), 0)).astype(jnp.float32)
    vals = lax.dot_general(
        oh, tbl_ref[...],
        dimension_numbers=(((0,), (0,)), ((), ())),
        preferred_element_type=jnp.float32,
    )
    out_ref[...] = vals.astype(jnp.int32)


_tc_fill = pl.pallas_call(
    _tc_body,
    grid=(NBLK,),
    in_specs=[
        pl.BlockSpec((1, 1, RB), lambda i: (BLK0 + i, 0, 0)),
        pl.BlockSpec((V, D), lambda i: (0, 0)),
    ],
    out_specs=pl.BlockSpec((RB, D), lambda i: (BLK0 + i, 0)),
    out_shape=jax.ShapeDtypeStruct((B, D), jnp.int32),
)


def kernel(ind, mem):
    idx = ind.astype(jnp.int32)
    tbl_rep = jnp.broadcast_to(mem.astype(jnp.int32), (NW, V, D)).reshape(NW * V, D)
    sc_out = _gather_sc(tbl_rep, idx)
    idx3 = idx.reshape(B // RB, 1, RB)
    big = _tc_fill(idx3, mem)
    return lax.dynamic_update_slice(big, sc_out, (0, 0))

# --- scband reference (transcript-rebuilt; emitter-appended) ---
"""Pipeline reference for scband-memory-59201829208554 (READ-ONLY COPY).

The authoritative reference and input builder live on the scoring server;
editing this copy changes nothing except your own understanding.
"""

import jax, jax.numpy as jnp
import numpy as np


def setup_inputs(seed: int = 0) -> dict:
    key = jax.random.key(seed)
    # forward arg: indices into the memory table (values < 10)
    ind = jax.random.randint(key, (16384,), 0, 10, dtype=jnp.int64)
    # module buffer: _mem initialized to zeros, shape (10, 512)
    mem = jnp.zeros((10, 512), dtype=jnp.float32)
    return {"ind": ind, "mem": mem}


def reference(ind, mem):
    # val = self._mem[ind]
    val = jnp.take(mem, ind, axis=0)
    # return val.long()
    return val.astype(jnp.int64)

if __name__ == "__main__":
    import jax
    _d = setup_inputs()
    print(jax.jit(kernel)(*tuple(_d.values())))

</pallas_src>

<mosaic_0001>
#map = affine_map<(d0, d1) -> (0, 0)>
#map1 = affine_map<(d0, d1) -> (0)>
module attributes {stable_mosaic.version = 14 : i64} {
  func.func @_gather_sc(%arg0: i32, %arg1: i32, %arg2: memref<320x512xi32, #tpu.memory_space<hbm>>, %arg3: memref<16384xi32, #tpu.memory_space<hbm>>, %arg4: memref<2048x512xi32, #tpu.memory_space<hbm>>, %arg5: memref<1x64xi32, #tpu.memory_space<vmem>>, %arg6: memref<2x64x512xi32, #tpu.memory_space<vmem>>, %arg7: memref<!tpu.dma_semaphore, #tpu.memory_space<semaphore_mem>>, %arg8: memref<!tpu.dma_semaphore, #tpu.memory_space<semaphore_mem>>, %arg9: memref<!tpu.dma_semaphore, #tpu.memory_space<semaphore_mem>>, %arg10: memref<!tpu.dma_semaphore, #tpu.memory_space<semaphore_mem>>) attributes {dimension_semantics = [#tpu.dimension_semantics<core_parallel>, #tpu.dimension_semantics<subcore_parallel>], iteration_bounds = array<i64: 2, 16>, scalar_prefetch = 0 : i64, scratch_operands = 6 : i64, tpu.core_type = #tpu.core_type<sc_vector_subcore>, window_params = [{transform_indices = #map}, {transform_indices = #map1}, {transform_indices = #map}]} {
    %mul3A = arith.constant 2 : i32
    %mul3A_0 = arith.muli %arg1, %mul3A : i32
    %add3A = arith.addi %mul3A_0, %arg0 : i32
    %mul3A_1 = arith.constant 64 : i32
    %mul3A_2 = arith.muli %add3A, %mul3A_1 : i32
    %add3A_3 = arith.constant 0 : i32
    %add3A_4 = arith.addi %mul3A_2, %add3A_3 : i32
    %run_scoped3A = arith.constant 0 : i32
    "tpu.region"() ({
      %run_scoped3A_107 = tpu.sem_alloc : memref<!tpu.dma_semaphore, #tpu.memory_space<semaphore_mem>>
      %dma_start3A_108 = arith.constant 0 : i32
      %dma_start3A_109 = tpu.memref_slice %arg5[%run_scoped3A, %dma_start3A_108] : memref<1x64xi32, #tpu.memory_space<vmem>> -> memref<1x64xi32, #tpu.memory_space<vmem>>
      %dma_start3A_110 = tpu.memref_squeeze %dma_start3A_109 : memref<1x64xi32, #tpu.memory_space<vmem>> -> memref<64xi32, #tpu.memory_space<vmem>>
      %dma_start3A_111 = tpu.memref_slice %arg3[%add3A_4] : memref<16384xi32, #tpu.memory_space<hbm>> -> memref<64xi32, #tpu.memory_space<hbm>>
      %dma_start3A_112 = arith.constant 0 : i32
      %dma_start3A_113 = tpu.memref_slice %arg5[%run_scoped3A, %dma_start3A_112] : memref<1x64xi32, #tpu.memory_space<vmem>> -> memref<1x64xi32, #tpu.memory_space<vmem>>
      %dma_start3A_114 = tpu.memref_squeeze %dma_start3A_113 : memref<1x64xi32, #tpu.memory_space<vmem>> -> memref<64xi32, #tpu.memory_space<vmem>>
      %dma_start3A_115 = tpu.memref_slice %arg3[%add3A_4] : memref<16384xi32, #tpu.memory_space<hbm>> -> memref<64xi32, #tpu.memory_space<hbm>>
      tpu.enqueue_dma source(%dma_start3A_115 : memref<64xi32, #tpu.memory_space<hbm>>) target(%dma_start3A_114 : memref<64xi32, #tpu.memory_space<vmem>>) target_semaphore(%run_scoped3A_107 : memref<!tpu.dma_semaphore, #tpu.memory_space<semaphore_mem>>)
      %dma_wait3A_116 = arith.constant 0 : i32
      %dma_wait3A_117 = tpu.memref_slice %arg5[%run_scoped3A, %dma_wait3A_116] : memref<1x64xi32, #tpu.memory_space<vmem>> -> memref<1x64xi32, #tpu.memory_space<vmem>>
      %dma_wait3A_118 = tpu.memref_squeeze %dma_wait3A_117 : memref<1x64xi32, #tpu.memory_space<vmem>> -> memref<64xi32, #tpu.memory_space<vmem>>
      %dma_wait3A_119 = tpu.memref_slice %arg3[%add3A_4] : memref<16384xi32, #tpu.memory_space<hbm>> -> memref<64xi32, #tpu.memory_space<hbm>>
      %dma_wait3A_120 = arith.constant 0 : i32
      %dma_wait3A_121 = tpu.memref_slice %arg5[%run_scoped3A, %dma_wait3A_120] : memref<1x64xi32, #tpu.memory_space<vmem>> -> memref<1x64xi32, #tpu.memory_space<vmem>>
      %dma_wait3A_122 = tpu.memref_squeeze %dma_wait3A_121 : memref<1x64xi32, #tpu.memory_space<vmem>> -> memref<64xi32, #tpu.memory_space<vmem>>
      %dma_wait3A_123 = tpu.memref_slice %arg3[%add3A_4] : memref<16384xi32, #tpu.memory_space<hbm>> -> memref<64xi32, #tpu.memory_space<hbm>>
      tpu.wait_dma2 semaphore(%run_scoped3A_107 : memref<!tpu.dma_semaphore, #tpu.memory_space<semaphore_mem>>) src(%dma_wait3A_123 : memref<64xi32, #tpu.memory_space<hbm>>) dst(%dma_wait3A_122 : memref<64xi32, #tpu.memory_space<vmem>>)
      tpu.yield
    }) : () -> ()
    %mul3A_5 = arith.constant 10 : i32
    %mul3A_6 = arith.muli %add3A, %mul3A_5 : i32
    %get3A = arith.constant 0 : i32
    %get3A_7 = arith.index_cast %get3A : i32 to index
    %get3A_8 = arith.constant 0 : index
    %get3A_9 = tpu.vector_load %arg5[%get3A_7, %get3A_8] {strides = array<i32>} : memref<1x64xi32, #tpu.memory_space<vmem>>, vector<1x16xi32>,
    %get3A_10 = vector.shape_cast %get3A_9 : vector<1x16xi32> to vector<16xi32>
    %add3A_11 = vector.broadcast %mul3A_6 : i32 to vector<16xi32>
    %add3A_12 = arith.addi %get3A_10, %add3A_11 : vector<16xi32>
    %swap3A = arith.constant 0 : i32
    %swap3A_13 = arith.index_cast %swap3A : i32 to index
    %swap3A_14 = arith.constant 0 : index
    %swap3A_15 = tpu.vector_load %arg5[%swap3A_13, %swap3A_14] {strides = array<i32>} : memref<1x64xi32, #tpu.memory_space<vmem>>, vector<1x16xi32>,
    %swap3A_16 = vector.shape_cast %swap3A_15 : vector<1x16xi32> to vector<16xi32>
    %swap3A_17 = vector.shape_cast %add3A_12 : vector<16xi32> to vector<1x16xi32>
    tpu.vector_store %arg5[%swap3A_13, %swap3A_14], %swap3A_17 {strides = array<i32>} : memref<1x64xi32, #tpu.memory_space<vmem>>, vector<1x16xi32>,
    %get3A_18 = arith.constant 0 : i32
    %get3A_19 = arith.index_cast %get3A_18 : i32 to index
    %get3A_20 = arith.constant 16 : index
    %get3A_21 = tpu.vector_load %arg5[%get3A_19, %get3A_20] {strides = array<i32>} : memref<1x64xi32, #tpu.memory_space<vmem>>, vector<1x16xi32>,
    %get3A_22 = vector.shape_cast %get3A_21 : vector<1x16xi32> to vector<16xi32>
    %add3A_23 = vector.broadcast %mul3A_6 : i32 to vector<16xi32>
    %add3A_24 = arith.addi %get3A_22, %add3A_23 : vector<16xi32>
    %swap3A_25 = arith.constant 0 : i32
    %swap3A_26 = arith.index_cast %swap3A_25 : i32 to index
    %swap3A_27 = arith.constant 16 : index
    %swap3A_28 = tpu.vector_load %arg5[%swap3A_26, %swap3A_27] {strides = array<i32>} : memref<1x64xi32, #tpu.memory_space<vmem>>, vector<1x16xi32>,
    %swap3A_29 = vector.shape_cast %swap3A_28 : vector<1x16xi32> to vector<16xi32>
    %swap3A_30 = vector.shape_cast %add3A_24 : vector<16xi32> to vector<1x16xi32>
    tpu.vector_store %arg5[%swap3A_26, %swap3A_27], %swap3A_30 {strides = array<i32>} : memref<1x64xi32, #tpu.memory_space<vmem>>, vector<1x16xi32>,
    %get3A_31 = arith.constant 0 : i32
    %get3A_32 = arith.index_cast %get3A_31 : i32 to index
    %get3A_33 = arith.constant 32 : index
    %get3A_34 = tpu.vector_load %arg5[%get3A_32, %get3A_33] {strides = array<i32>} : memref<1x64xi32, #tpu.memory_space<vmem>>, vector<1x16xi32>,
    %get3A_35 = vector.shape_cast %get3A_34 : vector<1x16xi32> to vector<16xi32>
    %add3A_36 = vector.broadcast %mul3A_6 : i32 to vector<16xi32>
    %add3A_37 = arith.addi %get3A_35, %add3A_36 : vector<16xi32>
    %swap3A_38 = arith.constant 0 : i32
    %swap3A_39 = arith.index_cast %swap3A_38 : i32 to index
    %swap3A_40 = arith.constant 32 : index
    %swap3A_41 = tpu.vector_load %arg5[%swap3A_39, %swap3A_40] {strides = array<i32>} : memref<1x64xi32, #tpu.memory_space<vmem>>, vector<1x16xi32>,
    %swap3A_42 = vector.shape_cast %swap3A_41 : vector<1x16xi32> to vector<16xi32>
    %swap3A_43 = vector.shape_cast %add3A_37 : vector<16xi32> to vector<1x16xi32>
    tpu.vector_store %arg5[%swap3A_39, %swap3A_40], %swap3A_43 {strides = array<i32>} : memref<1x64xi32, #tpu.memory_space<vmem>>, vector<1x16xi32>,
    %get3A_44 = arith.constant 0 : i32
    %get3A_45 = arith.index_cast %get3A_44 : i32 to index
    %get3A_46 = arith.constant 48 : index
    %get3A_47 = tpu.vector_load %arg5[%get3A_45, %get3A_46] {strides = array<i32>} : memref<1x64xi32, #tpu.memory_space<vmem>>, vector<1x16xi32>,
    %get3A_48 = vector.shape_cast %get3A_47 : vector<1x16xi32> to vector<16xi32>
    %add3A_49 = vector.broadcast %mul3A_6 : i32 to vector<16xi32>
    %add3A_50 = arith.addi %get3A_48, %add3A_49 : vector<16xi32>
    %swap3A_51 = arith.constant 0 : i32
    %swap3A_52 = arith.index_cast %swap3A_51 : i32 to index
    %swap3A_53 = arith.constant 48 : index
    %swap3A_54 = tpu.vector_load %arg5[%swap3A_52, %swap3A_53] {strides = array<i32>} : memref<1x64xi32, #tpu.memory_space<vmem>>, vector<1x16xi32>,
    %swap3A_55 = vector.shape_cast %swap3A_54 : vector<1x16xi32> to vector<16xi32>
    %swap3A_56 = vector.shape_cast %add3A_50 : vector<16xi32> to vector<1x16xi32>
    tpu.vector_store %arg5[%swap3A_52, %swap3A_53], %swap3A_56 {strides = array<i32>} : memref<1x64xi32, #tpu.memory_space<vmem>>, vector<1x16xi32>,
    %dma_start3A = arith.constant 0 : i32
    %dma_start3A_57 = arith.constant 0 : i32
    %dma_start3A_58 = arith.constant 0 : i32
    %dma_start3A_59 = arith.constant 0 : i32
    %dma_start3A_60 = tpu.memref_slice %arg6[%dma_start3A_57, %dma_start3A_58, %dma_start3A_59] : memref<2x64x512xi32, #tpu.memory_space<vmem>> -> memref<1x64x512xi32, #tpu.memory_space<vmem>>
    %dma_start3A_61 = tpu.memref_squeeze %dma_start3A_60 : memref<1x64x512xi32, #tpu.memory_space<vmem>> -> memref<64x512xi32, #tpu.memory_space<vmem>>
    %dma_start3A_62 = arith.constant 0 : i32
    %dma_start3A_63 = tpu.memref_slice %arg5[%dma_start3A, %dma_start3A_62] : memref<1x64xi32, #tpu.memory_space<vmem>> -> memref<1x64xi32, #tpu.memory_space<vmem>>
    %dma_start3A_64 = tpu.memref_squeeze %dma_start3A_63 : memref<1x64xi32, #tpu.memory_space<vmem>> -> memref<64xi32, #tpu.memory_space<vmem>>
    %dma_start3A_65 = arith.constant 0 : i32
    %dma_start3A_66 = arith.constant 0 : i32
    %dma_start3A_67 = tpu.memref_slice %arg2[%dma_start3A_65, %dma_start3A_66] : memref<320x512xi32, #tpu.memory_space<hbm>> -> memref<320x512xi32, #tpu.memory_space<hbm>>
    tpu.enqueue_indirect_dma source(%dma_start3A_67 : memref<320x512xi32, #tpu.memory_space<hbm>>) target(%dma_start3A_61 : memref<64x512xi32, #tpu.memory_space<vmem>>) offsets(%dma_start3A_64 : memref<64xi32, #tpu.memory_space<vmem>>) semaphore(%arg7 : memref<!tpu.dma_semaphore, #tpu.memory_space<semaphore_mem>>)
    %dma_wait3A = arith.constant 0 : i32
    %dma_wait3A_68 = arith.constant 0 : i32
    %dma_wait3A_69 = arith.constant 0 : i32
    %dma_wait3A_70 = arith.constant 0 : i32
    %dma_wait3A_71 = tpu.memref_slice %arg6[%dma_wait3A_68, %dma_wait3A_69, %dma_wait3A_70] : memref<2x64x512xi32, #tpu.memory_space<vmem>> -> memref<1x64x512xi32, #tpu.memory_space<vmem>>
    %dma_wait3A_72 = tpu.memref_squeeze %dma_wait3A_71 : memref<1x64x512xi32, #tpu.memory_space<vmem>> -> memref<64x512xi32, #tpu.memory_space<vmem>>
    %dma_wait3A_73 = arith.constant 0 : i32
    %dma_wait3A_74 = tpu.memref_slice %arg5[%dma_wait3A, %dma_wait3A_73] : memref<1x64xi32, #tpu.memory_space<vmem>> -> memref<1x64xi32, #tpu.memory_space<vmem>>
    %dma_wait3A_75 = tpu.memref_squeeze %dma_wait3A_74 : memref<1x64xi32, #tpu.memory_space<vmem>> -> memref<64xi32, #tpu.memory_space<vmem>>
    %dma_wait3A_76 = arith.constant 0 : i32
    %dma_wait3A_77 = arith.constant 0 : i32
    %dma_wait3A_78 = tpu.memref_slice %arg2[%dma_wait3A_76, %dma_wait3A_77] : memref<320x512xi32, #tpu.memory_space<hbm>> -> memref<320x512xi32, #tpu.memory_space<hbm>>
    tpu.wait_indirect_dma semaphore(%arg7 : memref<!tpu.dma_semaphore, #tpu.memory_space<semaphore_mem>>) src(%dma_wait3A_78 : memref<320x512xi32, #tpu.memory_space<hbm>>) dst(%dma_wait3A_72 : memref<64x512xi32, #tpu.memory_space<vmem>>)
    %add3A_79 = arith.constant 0 : i32
    %add3A_80 = arith.addi %mul3A_2, %add3A_79 : i32
    %dma_start3A_81 = arith.constant 0 : i32
    %dma_start3A_82 = arith.constant 0 : i32
    %dma_start3A_83 = arith.constant 0 : i32
    %dma_start3A_84 = tpu.memref_slice %arg6[%dma_start3A_81, %dma_start3A_82, %dma_start3A_83] : memref<2x64x512xi32, #tpu.memory_space<vmem>> -> memref<1x64x512xi32, #tpu.memory_space<vmem>>
    %dma_start3A_85 = tpu.memref_squeeze %dma_start3A_84 : memref<1x64x512xi32, #tpu.memory_space<vmem>> -> memref<64x512xi32, #tpu.memory_space<vmem>>
    %dma_start3A_86 = arith.constant 0 : i32
    %dma_start3A_87 = tpu.memref_slice %arg4[%add3A_80, %dma_start3A_86] : memref<2048x512xi32, #tpu.memory_space<hbm>> -> memref<64x512xi32, #tpu.memory_space<hbm>>
    %dma_start3A_88 = arith.constant 0 : i32
    %dma_start3A_89 = tpu.memref_slice %arg4[%add3A_80, %dma_start3A_88] : memref<2048x512xi32, #tpu.memory_space<hbm>> -> memref<64x512xi32, #tpu.memory_space<hbm>>
    %dma_start3A_90 = arith.constant 0 : i32
    %dma_start3A_91 = arith.constant 0 : i32
    %dma_start3A_92 = tpu.memref_slice %arg6[%dma_start3A_81, %dma_start3A_90, %dma_start3A_91] : memref<2x64x512xi32, #tpu.memory_space<vmem>> -> memref<1x64x512xi32, #tpu.memory_space<vmem>>
    %dma_start3A_93 = tpu.memref_squeeze %dma_start3A_92 : memref<1x64x512xi32, #tpu.memory_space<vmem>> -> memref<64x512xi32, #tpu.memory_space<vmem>>
    tpu.enqueue_dma source(%dma_start3A_93 : memref<64x512xi32, #tpu.memory_space<vmem>>) target(%dma_start3A_89 : memref<64x512xi32, #tpu.memory_space<hbm>>) target_semaphore(%arg9 : memref<!tpu.dma_semaphore, #tpu.memory_space<semaphore_mem>>)
    %dma_wait3A_94 = arith.constant 0 : i32
    %dma_wait3A_95 = arith.constant 0 : i32
    %dma_wait3A_96 = arith.constant 0 : i32
    %dma_wait3A_97 = tpu.memref_slice %arg6[%dma_wait3A_94, %dma_wait3A_95, %dma_wait3A_96] : memref<2x64x512xi32, #tpu.memory_space<vmem>> -> memref<1x64x512xi32, #tpu.memory_space<vmem>>
    %dma_wait3A_98 = tpu.memref_squeeze %dma_wait3A_97 : memref<1x64x512xi32, #tpu.memory_space<vmem>> -> memref<64x512xi32, #tpu.memory_space<vmem>>
    %dma_wait3A_99 = arith.constant 0 : i32
    %dma_wait3A_100 = tpu.memref_slice %arg4[%add3A_80, %dma_wait3A_99] : memref<2048x512xi32, #tpu.memory_space<hbm>> -> memref<64x512xi32, #tpu.memory_space<hbm>>
    %dma_wait3A_101 = arith.constant 0 : i32
    %dma_wait3A_102 = tpu.memref_slice %arg4[%add3A_80, %dma_wait3A_101] : memref<2048x512xi32, #tpu.memory_space<hbm>> -> memref<64x512xi32, #tpu.memory_space<hbm>>
    %dma_wait3A_103 = arith.constant 0 : i32
    %dma_wait3A_104 = arith.constant 0 : i32
    %dma_wait3A_105 = tpu.memref_slice %arg6[%dma_wait3A_94, %dma_wait3A_103, %dma_wait3A_104] : memref<2x64x512xi32, #tpu.memory_space<vmem>> -> memref<1x64x512xi32, #tpu.memory_space<vmem>>
    %dma_wait3A_106 = tpu.memref_squeeze %dma_wait3A_105 : memref<1x64x512xi32, #tpu.memory_space<vmem>> -> memref<64x512xi32, #tpu.memory_space<vmem>>
    tpu.wait_dma2 semaphore(%arg9 : memref<!tpu.dma_semaphore, #tpu.memory_space<semaphore_mem>>) src(%dma_wait3A_106 : memref<64x512xi32, #tpu.memory_space<vmem>>) dst(%dma_wait3A_102 : memref<64x512xi32, #tpu.memory_space<hbm>>)
    return
  }
}

module attributes {stable_mosaic.version = 14 : i64} {
  func.func @_tc_body(%arg0: i32, %arg1: memref<1x1x2048xi32, #tpu.memory_space<vmem>>, %arg2: memref<10x512xf32, #tpu.memory_space<vmem>>, %arg3: memref<2048x512xi32, #tpu.memory_space<vmem>>) attributes {dimension_semantics = [#tpu.dimension_semantics<arbitrary>], iteration_bounds = array<i64: 7>, scalar_prefetch = 0 : i64, scratch_operands = 0 : i64, tpu.core_type = #tpu.core_type<tc>, window_params = [{transform_indices = @transform_0, window_bounds = array<i64: 1, 1, 2048>}, {pipeline_mode = #tpu.pipeline_mode<synchronous>, transform_indices = @transform_1, window_bounds = array<i64: 10, 512>}, {transform_indices = @transform_2, window_bounds = array<i64: 2048, 512>}]} {
    %get3A = arith.constant 0 : index
    %get3A_0 = arith.constant 0 : index
    %get3A_1 = arith.constant 0 : index
    %get3A_2 = vector.load %arg1[%get3A, %get3A_0, %get3A_1] : memref<1x1x2048xi32, #tpu.memory_space<vmem>>, vector<1x1x2048xi32>
    %get3A_3 = vector.shape_cast %get3A_2 : vector<1x1x2048xi32> to vector<1x2048xi32>
    %broadcast_in_dim3A = vector.shape_cast %get3A_3 : vector<1x2048xi32> to vector<1x2048xi32>
    %broadcast_in_dim3A_4 = vector.broadcast %broadcast_in_dim3A : vector<1x2048xi32> to vector<10x2048xi32>
    %iota3A = tpu.iota {dimensions = array<i32: 0>} : vector<10x2048xi32>
    %eq3A = arith.cmpi eq, %broadcast_in_dim3A_4, %iota3A : vector<10x2048xi32>
    %convert_element_type3A = arith.extui %eq3A : vector<10x2048xi1> to vector<10x2048xi32>
    %convert_element_type3A_5 = arith.sitofp %convert_element_type3A : vector<10x2048xi32> to vector<10x2048xf32>
    %get3A_6 = arith.constant 0 : index
    %get3A_7 = arith.constant 0 : index
    %get3A_8 = vector.load %arg2[%get3A_6, %get3A_7] : memref<10x512xf32, #tpu.memory_space<vmem>>, vector<10x512xf32>
    %dot_general3A = arith.constant dense<0.000000e+00> : vector<2048x512xf32>
    %dot_general3A_9 = tpu.matmul %convert_element_type3A_5, %get3A_8, %dot_general3A {dimension_numbers = #tpu.dot_dimension_numbers<[0], [0], [1], [1], [0, 1, 1, 1], [], []>, transpose_lhs_hint = false} : vector<10x2048xf32>, vector<10x512xf32>, vector<2048x512xf32> -> vector<2048x512xf32>
    %convert_element_type3A_10 = arith.fptosi %dot_general3A_9 : vector<2048x512xf32> to vector<2048x512xi32>
    %swap3A = arith.constant 0 : index
    %swap3A_11 = arith.constant 0 : index
    %swap3A_12 = vector.load %arg3[%swap3A, %swap3A_11] : memref<2048x512xi32, #tpu.memory_space<vmem>>, vector<2048x512xi32>
    tpu.vector_store %arg3[%swap3A, %swap3A_11], %convert_element_type3A_10 {strides = array<i32>} : memref<2048x512xi32, #tpu.memory_space<vmem>>, vector<2048x512xi32>,
    return
  }
  func.func @transform_0(%arg0: i32) -> (i32, i32, i32) {
    %add3A = arith.constant 1 : i32
    %add3A_0 = arith.addi %add3A, %arg0 : i32
    %c0_i32 = arith.constant 0 : i32
    %c0_i32_1 = arith.constant 0 : i32
    %c0_i32_2 = arith.constant 0 : i32
    return %add3A_0, %c0_i32, %c0_i32_1 : i32, i32, i32
  }
  func.func @transform_1(%arg0: i32) -> (i32, i32) {
    %c0_i32 = arith.constant 0 : i32
    %c0_i32_0 = arith.constant 0 : i32
    %c0_i32_1 = arith.constant 0 : i32
    return %c0_i32, %c0_i32_0 : i32, i32
  }
  func.func @transform_2(%arg0: i32) -> (i32, i32) {
    %add3A = arith.constant 1 : i32
    %add3A_0 = arith.addi %add3A, %arg0 : i32
    %c0_i32 = arith.constant 0 : i32
    %c0_i32_1 = arith.constant 0 : i32
    return %add3A_0, %c0_i32 : i32, i32
  }
}

</mosaic_0001>

<sc_bundles>
// kernel: kernel.4.cloned.1.call-start
scs
__scs_entry_jumppad:
0x0: {  	(pc) =	sbr.rel $0x88, $3  }
0x1: {  	(tag) =	ssettag $0x0;
	lr =	simm.s32 $0x1  }
0x2: {  	[smem:$0x3F9F] =	sst lr;
	_ =	strace $0xD0000000  }
0x3: {  	_ = 	snop  }
0x4: {  	_ = 	snop  }
0x5: {  	_ = 	snop  }
0x6: {  	_ = 	snop  }
0x7: {  	_ = 	snop  }
__scs_overlays_trampoline_lowered:
0x8: {  	[smem:$0x3FAE] =	sst s0  }
0x9: {  	[smem:$0x3FAF] =	sst s1  }
0xa: {  	[smem:$0x3FB0] =	sst s2  }
0xb: {  	[smem:$0x3FB1] =	sst s3  }
0xc: {  	[smem:$0x3FB2] =	sst s4  }
0xd: {  	[smem:$0x3FB3] =	sst s5  }
0xe: {  	[smem:$0x3FB4] =	sst s6  }
0xf: {  	[smem:$0x3FB5] =	sst s7  }
0x10: {  	[smem:$0x3FB6] =	sst s8  }
0x11: {  	[smem:$0x3FB7] =	sst s9;
	s0 =	simm.s32 @!p0 $0x0  }
0x12: {  	s1 =	sld [smem:$0x3F9D];
	s0 =	simm.s32 @p0 $0x1  }
0x13: {  	[smem:$0x3FB8] =	sst s0;
	s0 =	simm.s32 @!p1 $0x0  }
0x14: {  	s2 =	sld [smem:$0x3F9C];
	s0 =	simm.s32 @p1 $0x1  }
0x15: {  	[smem:$0x3FB9] =	sst s0;
	s0 =	simm.s32 @!p2 $0x0  }
0x16: {  	s3 =	sld [smem:$0x3FDB];
	s0 =	simm.s32 @p2 $0x1  }
0x17: {  	s4 =	simm.s32 $0x1BF5;
	[smem:$0x3FBB] =	sst s0  }
0x18: {  	s0 =	sld [smem:$0x3F9E];
	_ =	swait.ge [sflag:s4], $0x0  }
0x19: {  	s7 =	sld [smem:$0x3F9F]  }
0x1a: {  	s8 =	sadd.s32 $0xFFFFE003, lr  }
0x1b: {  	s9 =	sadd.s32 $0xFFFFFEF7, lr;
	s5 =	simm.s32 $0xFFFFFFFF;
	p2 =	slt.u32 s8, $0xFFFFF086  }
0x1c: {  	p1 =	slt.u32 s9, $0xF7A;
	s5 =	simm.s32 @!p2 $0x0  }
0x1d: {  	s5 =	simm.s32 @p1 $0x1;
	p0 =	seq.s32 s7, s2  }
0x1e: {  	s7 =	smul.u32 @!p0 $0xF7A, s2;
	p2 =	seq.s32 @!p0 s5, $0x0  }
0x1f: {  	s9 =	smul.u32 $0xF7A, s1;
	s8 =	simm.s32 @!p0 $0x1BF5;
	p2 =	por !p2, p0  }
0x20: {  	[sflag:s8] =	ssyncset.s32 @!p0 $0xFFFFF086;
	s6 =	sadd.s32 @!p0 s3, s7;
	s7 =	simm.s32 @!p0 $0x108  }
0x21: {  	s3 =	sadd.s32 s3, s9;
	s6 =	sadd.s32 @!p0 $0x88, s6;
	s7 =	simm.s32 @p2 $0x1082  }
0x22: {  	[simem:s7], [sflag:s8] =	dma.local @!p0 [hbm:s6], $0xF7A  }
0x23: {  	s9 =	sor.u32 $0xD0000000, s2;
	s6 =	simm.s32 $0x108;
	_ =	swait.ge @!p0 [sflag:s8], $0x0  }
0x24: {  	s3 =	sadd.s32 $0x88, s3;
	s6 =	simm.s32 @!p1 $0x1082;
	[sflag:s4] =	ssyncset.s32 $0xFFFFF086  }
0x25: {  	[simem:s6], [sflag:s4] =	dma.local [hbm:s3], $0xF7A  }
0x26: {  	[smem:$0x3F9F] =	sst s1;
	(tag) =	ssettag s2;
	_ =	strace s9  }
0x27: {  	s1 =	sld [smem:$0x3FAF]  }
0x28: {  	s2 =	sld [smem:$0x3FB0]  }
0x29: {  	s4 =	sld [smem:$0x3FB2]  }
0x2a: {  	p0 =	seq.s32 s5, $0x0;
	s5 =	sld [smem:$0x3FB3]  }
0x2b: {  	s6 =	sld [smem:$0x3FB4]  }
0x2c: {  	s7 =	sld [smem:$0x3FB5]  }
0x2d: {  	s3 =	simm.s32 $0x108;
	s8 =	sld [smem:$0x3FB6]  }
0x2e: {  	s3 =	simm.s32 @!p0 $0x1082;
	s9 =	sld [smem:$0x3FB7]  }
0x2f: {  	lr =	sadd.s32 s0, s3;
	s0 =	sld [smem:$0x3FAE]  }
0x30: {  	s3 =	sld [smem:$0x3FB1]  }
0x31: {  	[smem:$0x3FBA] =	sst s10  }
0x32: {  	s10 =	sld [smem:$0x3FB8];
	_ =	sdelay $0x3  }
0x33: {  	p0 =	seq.s32 s10, $0x1;
	s10 =	sld [smem:$0x3FBA];
	_ =	sdelay $0x3  }
0x34: {  	[smem:$0x3FBA] =	sst s10  }
0x35: {  	s10 =	sld [smem:$0x3FB9];
	_ =	sdelay $0x3  }
0x36: {  	p1 =	seq.s32 s10, $0x1;
	s10 =	sld [smem:$0x3FBA];
	_ =	sdelay $0x3  }
0x37: {  	[smem:$0x3FBA] =	sst s10  }
0x38: {  	s10 =	sld [smem:$0x3FBB]  }
0x39: {  	_ = 	snop;
	(pc) =	sbr.ind lr, $3  }
0x3a: {  	_ = 	snop  }
0x3b: {  	_ = 	snop  }
0x3c: {  	p2 =	seq.s32 s10, $0x1;
	s10 =	sld [smem:$0x3FBA]  }
0x3d: {  	_ =	shalt  }
0x3e: {  	_ =	shalt  }
0x3f: {  	_ =	shalt  }
0x40: {  	_ =	shalt  }
0x41: {  	_ =	shalt  }
0x42: {  	_ =	shalt  }
0x43: {  	_ =	shalt  }
0x44: {  	_ =	shalt  }
0x45: {  	_ =	shalt  }
0x46: {  	_ =	shalt  }
0x47: {  	_ =	shalt  }
0x48: {  	_ =	shalt  }
0x49: {  	_ =	shalt  }
0x4a: {  	_ =	shalt  }
0x4b: {  	_ =	shalt  }
0x4c: {  	_ =	shalt  }
0x4d: {  	_ =	shalt  }
0x4e: {  	_ =	shalt  }
0x4f: {  	_ =	shalt  }
0x50: {  	_ =	shalt  }
0x51: {  	_ =	shalt  }
0x52: {  	_ =	shalt  }
0x53: {  	_ =	shalt  }
0x54: {  	_ =	shalt  }
0x55: {  	_ =	shalt  }
0x56: {  	_ =	shalt  }
0x57: {  	_ =	shalt  }
0x58: {  	_ =	shalt  }
0x59: {  	_ =	shalt  }
0x5a: {  	_ =	shalt  }
0x5b: {  	_ =	shalt  }
0x5c: {  	_ =	shalt  }
0x5d: {  	_ =	shalt  }
0x5e: {  	_ =	shalt  }
0x5f: {  	_ =	shalt  }
0x60: {  	_ =	shalt  }
0x61: {  	_ =	shalt  }
0x62: {  	_ =	shalt  }
0x63: {  	_ =	shalt  }
0x64: {  	_ =	shalt  }
0x65: {  	_ =	shalt  }
0x66: {  	_ =	shalt  }
0x67: {  	_ =	shalt  }
0x68: {  	_ =	shalt  }
0x69: {  	_ =	shalt  }
0x6a: {  	_ =	shalt  }
0x6b: {  	_ =	shalt  }
0x6c: {  	_ =	shalt  }
0x6d: {  	_ =	shalt  }
0x6e: {  	_ =	shalt  }
0x6f: {  	_ =	shalt  }
0x70: {  	_ =	shalt  }
0x71: {  	_ =	shalt  }
0x72: {  	_ =	shalt  }
0x73: {  	_ =	shalt  }
0x74: {  	_ =	shalt  }
0x75: {  	_ =	shalt  }
0x76: {  	_ =	shalt  }
0x77: {  	_ =	shalt  }
0x78: {  	_ =	shalt  }
0x79: {  	_ =	shalt  }
0x7a: {  	_ =	shalt  }
0x7b: {  	_ =	shalt  }
0x7c: {  	_ =	shalt  }
0x7d: {  	_ =	shalt  }
0x7e: {  	_ =	shalt  }
0x7f: {  	_ =	shalt  }
0x80: {  	_ =	shalt  }
0x81: {  	_ =	shalt  }
0x82: {  	_ =	shalt  }
0x83: {  	_ =	shalt  }
0x84: {  	_ =	shalt  }
0x85: {  	_ =	shalt  }
0x86: {  	_ =	shalt  }
0x87: {  	_ =	shalt  }
.Lfunc_end0:
.L_simem_size_0:
called_computation_lowered:
.L_overlay_start_0:
0x88: {  	s2 =	sld [smem:$0x3FD9]  }
0x89: {  	s3 =	sld [smem:$0x3FFE];
	_ =	sdelay $0x1  }
0x8a: {  	s1 =	srdreg.scid  }
0x8b: {  	s0 =	sand.u32 $0x1, s1  }
0x8c: {  	s17 =	sshll.u32 s0, $0xA;
	s2 =	sadd.s32 s3, s2  }
0x8d: {  	s2 =	sadd.s32 s2, s17  }
0x8e: {  	[smem:$0x3FC6] =	sst s2  }
0x8f: {  	_ = 	snop  }
0x90: {  	s2 =	sld [smem:$0x3FC9];
	(tm) =	ssettm $0x1  }
0x91: {  	s18 =	sld [smem:$0x3FFB];
	_ =	sdelay $0x3  }
0x92: {  	_ =	strace s18  }
0x93: {  	s3 =	sld [smem:$0x3FFC];
	_ =	sdelay $0x3  }
0x94: {  	_ =	strace s3  }
0x95: {  	s3 =	sld [smem:$0x3FFD];
	_ =	sdelay $0x3  }
0x96: {  	_ =	strace s3  }
0x97: {  	_ =	strace $0x8FFFFFFF  }
0x98: {  	s19 =	sld [smem:$0x3FDB];
	_ =	sdelay $0x1  }
0x99: {  	s4 =	simm.s32 $_scs_section_size  }
0x9a: {  	s5 =	simm.s32 $_size__tile_overlayer_lowered;
	s6 =	simm.s32 $_tile_overlayer_lowered  }
0x9b: {  	s22 =	simm.s32 $0x1BFF;
	s21 =	sshll.u32 s6, $0x1;
	s3 =	sadd.s32 s4, s19  }
0x9c: {  	s7 =	simm.s32 $0x0;
	s20 =	sshll.u32 s5, $0x1;
	s5 =	sadd.s32 s21, s3  }
0x9d: {  	[timem:s7], [sflag:s22] =	dma.local [hbm:s5], s20  }
0x9e: {  	_ =	swait.ge [sflag:s22], s20  }
0x9f: {  	s4 =	ssub.s32 $0x0, s20;
	[sflag:s22] =	ssyncset.done $0x0  }
0xa0: {  	[sflag:s22] =	ssyncadd.s32 s4;
	_ =	sdelay $0x1  }
0xa1: {  	s23 =	simm.s32 $0x1B8B  }
0xa2: {  	_ =	swait.ge [sflag:s23], $0x1  }
0xa3: {  	[sflag:s23] =	ssyncset.done $0x0  }
0xa4: {  	s25 =	simm.s32 $0x1B8E;
	s24 =	sld [smem:$0x3FFE];
	[sflag:s23] =	ssyncadd.s32 $0xFFFFFFFF  }
0xa5: {  	s26 =	simm.s32 $execute0_lowered;
	[smem:$0x3FD2] =	sst s25  }
0xa6: {  	s5 =	sshll.u32 s26, $0x1;
	_ =	strace $0x80000046;
	[dreg:$0x1] =	wrdreg $0xFFFFFFFF  }
0xa7: {  	s28 =	simm.s32 $_size_execute0_lowered;
	s3 =	sadd.s32 s3, s5;
	[dreg:$0x0] =	wrdreg $0x0  }
0xa8: {  	s5 =	sshll.u32 s28, $0x1;
	[dreg:$0x2] =	wrdreg s3  }
0xa9: {  	[dreg:$0x3] =	wrdreg s5  }
0xaa: {  	[dreg:$0x4] =	wrdreg $0xC0  }
0xab: {  	_ =	task [dreg:s7], $0x5FFFF  }
0xac: {  	[dreg:$0x1] =	wrdreg $0xFFFFFFFF  }
0xad: {  	[dreg:$0x0] =	wrdreg $0x60  }
0xae: {  	[dreg:$0x2] =	wrdreg s24  }
0xaf: {  	[dreg:$0x3] =	wrdreg s2  }
0xb0: {  	[dreg:$0x4] =	wrdreg $0x9  }
0xb1: {  	_ =	task.clear_ibuf [dreg:s7], $0x5FFFF;
	_ =	strace $0x90000046  }
0xb2: {  	s29 =	simm.s32 $0x9;
	_ =	strace $0x80000048  }
0xb3: {  	_ =	swait.ge [sflag:s29], $0x1  }
0xb4: {  	[sflag:s29] =	ssyncadd.s32 $0xFFFFFFFF  }
0xb5: {  	_ =	strace $0x90000048  }
0xb6: {  	_ =	sfence  }
0xb7: {  	s30 =	sld [smem:$0x0];
	_ =	sdelay $0x2  }
0xb8: {  	s31 =	sshll.u32 s1, $0xD;
	s1 =	sshrl.u32 s1, $0x2  }
0xb9: {  	s3 =	sand.u32 $0x4000, s31;
	s1 =	sadd.s32 s1, s30  }
0xba: {  	s0 =	sor.u32 s3, s0;
	s1 =	sshll.u32 s1, $0x11  }
0xbb: {  	s0 =	sor.u32 s1, s0  }
0xbc: {  	s0 =	sadd.s32 $0x8F2B, s0  }
0xbd: {  	[sflag:s0] =	ssyncadd.remote.s32 $0x1  }
0xbe: {  	_ =	sfence.sel $0xFFFF  }
0xbf: {  	[dreg:$0x0] =	wrdreg $0xFFFFFFFF;
	(pc) =	sbr.abs _section_cstart, $3  }
0xc0: {  	[dreg:$0x1] =	wrdreg $0xFFFFFFFF  }
0xc1: {  	_ =	task.clear_ibuf [dreg:s7], $0x2FFFF;
	_ =	strace $0x9FFFFFFF  }
0xc2: {  	(tm) =	ssettm $0x7FFFFFFF  }
0xc3: {  	_ =	shalt  }
tec
execute0_lowered:
.L_overlay_start_1:
0x0: {  	(tag) =	ssettag $0x1  }
0x1: {  	s5 =	rddreg [dreg:$0x0]  }
0x2: {  	s4 =	rddreg [dreg:$0x1]  }
0x3: {  	s0 =	rddreg [dreg:$0x2]  }
0x4: {  	s2 =	simm.s32 $0x0;
	s3 =	srdreg.scid;
	s1 =	stileid.u32  }
0x5: {  	s10 =	simm.s32 $0x880;
	s11 =	simm.s32 $0x1080;
	s12 =	simm.s32 $0x1880  }
0x6: {  	s13 =	simm.s32 $0x2080;
	s14 =	simm.s32 $0x2880;
	s15 =	simm.s32 $0x3080  }
0x7: {  	s16 =	simm.s32 $0x3880;
	s17 =	simm.s32 $0x4080;
	s18 =	simm.s32 $0x4880  }
0x8: {  	s19 =	simm.s32 $0x5080;
	s20 =	simm.s32 $0x5880;
	s22 =	simm.s32 $0x6880  }
0x9: {  	s23 =	simm.s32 $0x7080;
	s24 =	simm.s32 $0x7880;
	s25 =	simm.s32 $0x1  }
0xa: {  	[smem:$0x7FF] =	sst s2;
	s3 =	sand.u32 $0x1, s3;
	s6 =	sshll.u32 s1, $0x1  }
0xb: {  	s26 =	simm.s32 $0x2;
	_ =	strace $0x80000047;
	s6 =	sor.u32 s3, s6  }
0xc: {  	s7 =	ssub.s32 $0x2, s3;
	s3 =	sadd.s32 $0x800, s5;
	s8 =	sshll.u32 s6, $0xC  }
0xd: {  	s9 =	sshrl.u32 s7, $0x1;
	s31 =	sshll.u32 s6, $0x3;
	s21 =	smul.u32 $0xA, s6  }
0xe: {  	v3 =	vlaneseq.u32;
	s8 =	sadd.s32 s8, s5;
	s7 =	ssub.s32 s7, s9;
	s4 =	sadd.s32 s4, s31  }
0xf: {  	vm0 =	vmmov $0xffff;
	v1 =	vand.u32 $0x7, v3;
	v2 =	vshrl.u32 v3, $0x3;
	s5 =	sadd.s32 $0x900, s5;
	s9 =	simm.s32 $0x80;
	s6 =	sadd.s32 $0x5800, s8  }
0x10: {  	v3 =	vor.u32 $0x8, v3;
	v2 =	vmul.u32 $0x8, v2;
	s7 =	smax.u32 s7, $0x1;
	s8 =	simm.s32 $0x3;
	v0 =	vmov s21;
	s21 =	simm.s32 $0x6080  }
.LBB2_1:
0x11: {  	[tilespmem:s2], [sflag:$0x3] =	stream.linear.gather [hbm4b:s4+s2], $0x40, $0x38;
	[tilespmem:$0x10080] =	vst v63  }
0x12: {  	_ =	swait.ge [sflag:s8], $0x40  }
0x13: {  	[sflag:s8] =	ssyncset.done $0x0  }
0x14: {  	[sflag:s8] =	ssyncadd.s32 $0xFFFFFFC0  }
0x15: {  	v4 =	vld [tilespmem:$0x0];
	_ =	sdelay $0x4  }
0x16: {  	v4 =	vadd.s32 v0, v4  }
0x17: {  	v5 =	vshll.u32 v4, $0x2  }
0x18: {  	v6 =	vld [tilespmem:$0x10];
	v7 =	vand.u32 $0x7, v4;
	v5 =	vand.u32 $0xFFFFFFE0, v5  }
0x19: {  	v8 =	vld [tilespmem:$0x20];
	v5 =	vor.u32 v7, v5  }
0x1a: {  	v63 =	vld [tilespmem:$0x30];
	v9 =	vperm.xlane v5, v1;
	_ =	sdelay $0x1  }
0x1b: {  	v9 =	vadd.s32 v2, v9  }
0x1c: {  	[tilespmem:$0x0] =	vst v4;
	v4 =	vadd.s32 v0, v6  }
0x1d: {  	[tilespmem:$0x10] =	vst v4;
	v4 =	vadd.s32 v0, v8;
	v5 =	vperm.xlane v5, v3  }
0x1e: {  	[tilespmem:$0x20] =	vst v4;
	v4 =	vadd.s32 v0, v63  }
0x1f: {  	[tilespmem:$0x30] =	vst v4;
	v4 =	vadd.s32 v2, v5  }
0x20: {  	[tilespmem:s9], [sflag:$0x1] =	stream.indirect_vreg.gather [hbm4b:s3+s2], $0x80, v9, vm0, $0xb8;
	[tilespmem:$0x10080] =	vst v63  }
0x21: {  	_ = 	snop  }
0x22: {  	[tilespmem:s10], [sflag:$0x1] =	stream.indirect_vreg.gather [hbm4b:s5+s2], $0x80, v9, vm0, $0xb8;
	[tilespmem:$0x10080] =	vst v63  }
0x23: {  	_ = 	snop  }
0x24: {  	[tilespmem:s11], [sflag:$0x1] =	stream.indirect_vreg.gather [hbm4b:s3+s2], $0x80, v4, vm0, $0xb8;
	[tilespmem:$0x10080] =	vst v63  }
0x25: {  	_ = 	snop  }
0x26: {  	[tilespmem:s12], [sflag:$0x1] =	stream.indirect_vreg.gather [hbm4b:s5+s2], $0x80, v4, vm0, $0xb8;
	[tilespmem:$0x10080] =	vst v63  }
0x27: {  	v4 =	vld [tilespmem:$0x10];
	_ =	sdelay $0x4  }
0x28: {  	v5 =	vshll.u32 v4, $0x2  }
0x29: {  	v4 =	vand.u32 $0x7, v4;
	v5 =	vand.u32 $0xFFFFFFE0, v5  }
0x2a: {  	v4 =	vor.u32 v4, v5  }
0x2b: {  	v5 =	vperm.xlane v4, v1;
	_ =	sdelay $0x1  }
0x2c: {  	v5 =	vadd.s32 v2, v5;
	_ =	sdelay $0x1  }
0x2d: {  	v4 =	vperm.xlane v4, v3;
	_ =	sdelay $0x1  }
0x2e: {  	v4 =	vadd.s32 v2, v4  }
0x2f: {  	[tilespmem:s13], [sflag:$0x1] =	stream.indirect_vreg.gather [hbm4b:s3+s2], $0x80, v5, vm0, $0xb8;
	[tilespmem:$0x10080] =	vst v63  }
0x30: {  	_ = 	snop  }
0x31: {  	[tilespmem:s14], [sflag:$0x1] =	stream.indirect_vreg.gather [hbm4b:s5+s2], $0x80, v5, vm0, $0xb8;
	[tilespmem:$0x10080] =	vst v63  }
0x32: {  	_ = 	snop  }
0x33: {  	[tilespmem:s15], [sflag:$0x1] =	stream.indirect_vreg.gather [hbm4b:s3+s2], $0x80, v4, vm0, $0xb8;
	[tilespmem:$0x10080] =	vst v63  }
0x34: {  	_ = 	snop  }
0x35: {  	[tilespmem:s16], [sflag:$0x1] =	stream.indirect_vreg.gather [hbm4b:s5+s2], $0x80, v4, vm0, $0xb8;
	[tilespmem:$0x10080] =	vst v63  }
0x36: {  	v4 =	vld [tilespmem:$0x20];
	_ =	sdelay $0x4  }
0x37: {  	v5 =	vshll.u32 v4, $0x2  }
0x38: {  	v4 =	vand.u32 $0x7, v4;
	v5 =	vand.u32 $0xFFFFFFE0, v5  }
0x39: {  	v4 =	vor.u32 v4, v5  }
0x3a: {  	v5 =	vperm.xlane v4, v1;
	_ =	sdelay $0x1  }
0x3b: {  	v5 =	vadd.s32 v2, v5;
	_ =	sdelay $0x1  }
0x3c: {  	v4 =	vperm.xlane v4, v3;
	_ =	sdelay $0x1  }
0x3d: {  	v4 =	vadd.s32 v2, v4  }
0x3e: {  	[tilespmem:s17], [sflag:$0x1] =	stream.indirect_vreg.gather [hbm4b:s3+s2], $0x80, v5, vm0, $0xb8;
	[tilespmem:$0x10080] =	vst v63  }
0x3f: {  	_ = 	snop  }
0x40: {  	[tilespmem:s18], [sflag:$0x1] =	stream.indirect_vreg.gather [hbm4b:s5+s2], $0x80, v5, vm0, $0xb8;
	[tilespmem:$0x10080] =	vst v63  }
0x41: {  	_ = 	snop  }
0x42: {  	[tilespmem:s19], [sflag:$0x1] =	stream.indirect_vreg.gather [hbm4b:s3+s2], $0x80, v4, vm0, $0xb8;
	[tilespmem:$0x10080] =	vst v63  }
0x43: {  	_ = 	snop  }
0x44: {  	[tilespmem:s20], [sflag:$0x1] =	stream.indirect_vreg.gather [hbm4b:s5+s2], $0x80, v4, vm0, $0xb8;
	[tilespmem:$0x10080] =	vst v63  }
0x45: {  	v4 =	vld [tilespmem:$0x30];
	_ =	sdelay $0x4  }
0x46: {  	v5 =	vshll.u32 v4, $0x2  }
0x47: {  	v4 =	vand.u32 $0x7, v4;
	v5 =	vand.u32 $0xFFFFFFE0, v5  }
0x48: {  	v4 =	vor.u32 v4, v5  }
0x49: {  	v5 =	vperm.xlane v4, v1;
	_ =	sdelay $0x1  }
0x4a: {  	v5 =	vadd.s32 v2, v5;
	_ =	sdelay $0x1  }
0x4b: {  	v4 =	vperm.xlane v4, v3;
	_ =	sdelay $0x1  }
0x4c: {  	v4 =	vadd.s32 v2, v4  }
0x4d: {  	[tilespmem:s21], [sflag:$0x1] =	stream.indirect_vreg.gather [hbm4b:s3+s2], $0x80, v5, vm0, $0xb8;
	[tilespmem:$0x10080] =	vst v63  }
0x4e: {  	_ = 	snop  }
0x4f: {  	[tilespmem:s22], [sflag:$0x1] =	stream.indirect_vreg.gather [hbm4b:s5+s2], $0x80, v5, vm0, $0xb8;
	[tilespmem:$0x10080] =	vst v63  }
0x50: {  	_ = 	snop  }
0x51: {  	[tilespmem:s23], [sflag:$0x1] =	stream.indirect_vreg.gather [hbm4b:s3+s2], $0x80, v4, vm0, $0xb8;
	[tilespmem:$0x10080] =	vst v63  }
0x52: {  	_ = 	snop  }
0x53: {  	[tilespmem:s24], [sflag:$0x1] =	stream.indirect_vreg.gather [hbm4b:s5+s2], $0x80, v4, vm0, $0xb8;
	[tilespmem:$0x10080] =	vst v63  }
0x54: {  	_ =	swait.ge [sflag:s25], $0x8000  }
0x55: {  	p0 =	sne.s32 s7, $0x1;
	[sflag:s25] =	ssyncset.done $0x0  }
.Ltmp0:
0x56: {  	[sflag:s25] =	ssyncadd.s32 $0xFFFF8000;
	(pc) =	sbr.rel @p0 .LBB2_1-.Ltmp0, $4  }
0x57: {  	[hbm4b:s6+s2] =	stream.linear.scatter [tilespmem:s9], [sflag:$0x2], $0x8000, $0x38;
	[tilespmem:$0x10080] =	vst v63  }
0x58: {  	_ =	swait.ge [sflag:s26], $0x8000  }
0x59: {  	[sflag:s26] =	ssyncset.done $0x0  }
0x5a: {  	s7 =	sadd.s32 $0xFFFFFFFF, s7;
	[sflag:s26] =	ssyncadd.s32 $0xFFFF8000  }
0x5b: {  	_ =	sfence.sel $0x180000  }
0x5c: {  	[bflag:$0x0] =	sbarrier.arrive $0xFFFF  }
0x5d: {  	p0 =	sne.s32 s1, $0x0;
	_ =	strace $0x90000047  }
0x5e: {  	s0 =	sadd.s32 @!p0 $0x100000, s0;
	[bflag:$0x2] =	sbarrier.arrive $0xFFFF  }
0x5f: {  	[sflag:s0] =	ssyncadd.tile.s32 @!p0 $0x1;
	_ =	shalt  }
.Lfunc_end2:
_tile_overlayer_lowered:
.L_overlay_start_2:
0x60: {  	(tag) =	ssettag $0x2  }
0x61: {  	s0 =	rddreg [dreg:$0x0];
	s2 =	stileid.u32  }
0x62: {  	s1 =	rddreg [dreg:$0x1];
	p0 =	sne.s32 s2, $0x0  }
0x63: {  	s3 =	rddreg [dreg:$0x2];
	[bflag:$0x3] =	sbarrier.arrive $0xFFFF;
	s2 =	simm.s32 @!p0 $0x1C03  }
0x64: {  	[timem:s3], [sflag:s2] =	dma.local @!p0 [hbm:s0], s1  }
0x65: {  	s0 =	simm.s32 @!p0 $0x3  }
0x66: {  	_ =	swait.ge @!p0 [sflag:s0], s1  }
0x67: {  	s1 =	ssub.s32 @!p0 $0x0, s1;
	[sflag:s0] =	ssyncset.done @!p0 $0x0  }
0x68: {  	[sflag:s0] =	ssyncadd.s32 @!p0 s1  }
0x69: {  	[bflag:$0x3] =	sbarrier.arrive $0xFFFF  }
0x6a: {  	_ =	shalt  }

</sc_bundles>
